<compile_context>
chip_gen: v7x
topology: tpu7x:2x2x1
jax: 0.10.2.dev20260603
libtpu: 0.0.44.dev20260713+nightly
codegen_flags: <defaults>
</compile_context>

<pallas_src>
import functools

import jax
import jax.numpy as jnp
from jax import lax
from jax.experimental import pallas as pl
from jax.experimental.pallas import tpu as pltpu
from jax.experimental.pallas import tpu_sc as plsc

_PAD = 16
_BR = 1024


def _sc_gather_rows(x2d, meta, s):
    _, d = x2d.shape
    mesh = plsc.VectorSubcoreMesh(
        core_axis_name="c", subcore_axis_name="s", num_cores=1)

    @functools.partial(
        pl.kernel,
        out_type=jax.ShapeDtypeStruct((_PAD, d), jnp.float32),
        mesh=mesh,
        scratch_types=[
            pltpu.VMEM((_PAD,), jnp.int32),
            pltpu.VMEM((_PAD,), jnp.int32),
            pltpu.VMEM((_PAD, d), jnp.float32),
            pltpu.SemaphoreType.DMA,
        ],
        compiler_params=pltpu.CompilerParams(needs_layout_passes=False),
    )
    def gather_kernel(x_hbm, meta_hbm, out_hbm, meta_v, idx_v, rows_v, sem):
        wid = lax.axis_index("s") * 2 + lax.axis_index("c")

        @pl.when(wid == 0)
        def _():
            pltpu.sync_copy(meta_hbm, meta_v)
            lane = jnp.minimum(lax.iota(jnp.int32, _PAD), 3)
            src_b = plsc.load_gather(meta_v, [lane])
            src_pos = plsc.load_gather(meta_v, [lane + 4])
            idx_v[...] = src_b * s + src_pos
            pltpu.async_copy(x_hbm.at[idx_v], rows_v, sem).wait()
            pltpu.sync_copy(rows_v, out_hbm)

    return gather_kernel(x2d, meta)


def _tc_copy(x2d):
    n, d = x2d.shape

    def body(x_ref, o_ref):
        o_ref[...] = x_ref[...]

    return pl.pallas_call(
        body,
        grid=(n // _BR,),
        in_specs=[pl.BlockSpec((_BR, d), lambda j: (j, 0))],
        out_specs=pl.BlockSpec((_BR, d), lambda j: (j, 0)),
        out_shape=jax.ShapeDtypeStruct((n, d), x2d.dtype),
    )(x2d)


def _tc_scatter_inplace(buf2d, updates, dst_pos, b, s):
    n, d = buf2d.shape

    def body(buf_ref, upd_ref, dst_ref, o_ref, sem):
        del buf_ref
        copies = [
            pltpu.make_async_copy(
                upd_ref.at[i], o_ref.at[i * s + dst_ref[i]], sem)
            for i in range(b)
        ]
        for c in copies:
            c.start()
        for c in copies:
            c.wait()

    return pl.pallas_call(
        body,
        in_specs=[
            pl.BlockSpec(memory_space=pl.ANY),
            pl.BlockSpec(memory_space=pl.ANY),
            pl.BlockSpec(memory_space=pltpu.SMEM),
        ],
        out_specs=pl.BlockSpec(memory_space=pl.ANY),
        out_shape=jax.ShapeDtypeStruct((n, d), buf2d.dtype),
        input_output_aliases={0: 0},
        scratch_shapes=[pltpu.SemaphoreType.DMA],
    )(buf2d, updates, dst_pos)


def kernel(x, dst_pos, src_b, src_pos):
    b, s, d = x.shape
    meta = jnp.concatenate([
        src_b.astype(jnp.int32),
        src_pos.astype(jnp.int32),
        jnp.zeros((_PAD - 2 * b,), jnp.int32),
    ])
    x2d = x.reshape(b * s, d)
    updates = _sc_gather_rows(x2d, meta, s)
    out2d = _tc_scatter_inplace(
        _tc_copy(x2d), updates, dst_pos.astype(jnp.int32), b, s)
    return out2d.reshape(b, s, d)

# --- scband reference (transcript-rebuilt; emitter-appended) ---
"""Pipeline reference for scband-noise-27771258536916 (READ-ONLY COPY).

The authoritative reference and input builder live on the scoring server;
editing this copy changes nothing except your own understanding.
"""

import jax, jax.numpy as jnp
import numpy as np

B, S, D = 4, 8192, 2048  # batch, seq_len (last_index), d_model

def setup_inputs(seed: int = 0) -> dict:
    key = jax.random.key(seed)
    k1, k2, k3, k4 = jax.random.split(key, 4)
    x = jax.random.normal(k1, (B, S, D), dtype=jnp.float32)
    # With prob=1.0 every batch row gets one position overwritten.
    # Destination position per batch row (K.init.label(max=last_index)).
    dst_pos = jax.random.randint(k2, (B,), 0, S, dtype=jnp.int32)
    # sample_from='batch': source batch row is sampled uniformly from the batch.
    src_b = jax.random.randint(k3, (B,), 0, B, dtype=jnp.int32)
    # Source position within the sequence (K.init.label(max=last_index)).
    src_pos = jax.random.randint(k4, (B,), 0, S, dtype=jnp.int32)
    return {"x": x, "dst_pos": dst_pos, "src_b": src_b, "src_pos": src_pos}

def reference(x, dst_pos, src_b, src_pos):
    # Faithful translation of Noise.call with prob=1.0, sample_from='batch':
    #   switch_indexes = range(B); indexes = stack([range(B), dst_pos], axis=1)
    #   updates = inputs[src_b, src_pos]  (gather of [B, D] rows)
    #   out = tensor_scatter_nd_update(inputs, indexes, updates)
    b = x.shape[0]
    updates = x[src_b, src_pos]              # gather: [B, D]
    out = x.at[jnp.arange(b), dst_pos].set(updates)  # scatter-overwrite
    return out

if __name__ == "__main__":
    import jax
    _d = setup_inputs()
    print(jax.jit(kernel)(*tuple(_d.values())))

</pallas_src>

<mosaic_0001>
#map = affine_map<(d0, d1) -> (0, 0)>
#map1 = affine_map<(d0, d1) -> (0)>
module attributes {stable_mosaic.version = 14 : i64} {
  func.func @gather_kernel(%arg0: i32, %arg1: i32, %arg2: memref<32768x2048xf32, #tpu.memory_space<hbm>>, %arg3: memref<16xi32, #tpu.memory_space<hbm>>, %arg4: memref<16x2048xf32, #tpu.memory_space<hbm>>, %arg5: memref<16xi32, #tpu.memory_space<vmem>>, %arg6: memref<16xi32, #tpu.memory_space<vmem>>, %arg7: memref<16x2048xf32, #tpu.memory_space<vmem>>, %arg8: memref<!tpu.dma_semaphore, #tpu.memory_space<semaphore_mem>>) attributes {dimension_semantics = [#tpu.dimension_semantics<core_parallel>, #tpu.dimension_semantics<subcore_parallel>], iteration_bounds = array<i64: 1, 16>, scalar_prefetch = 0 : i64, scratch_operands = 4 : i64, tpu.core_type = #tpu.core_type<sc_vector_subcore>, window_params = [{transform_indices = #map}, {transform_indices = #map1}, {transform_indices = #map}]} {
    %mul3A = arith.constant 2 : i32
    %mul3A_0 = arith.muli %arg1, %mul3A : i32
    %add3A = arith.addi %mul3A_0, %arg0 : i32
    %eq3A = arith.constant 0 : i32
    %eq3A_1 = arith.cmpi eq, %add3A, %eq3A : i32
    %convert_element_type3A = arith.extui %eq3A_1 : i1 to i32
    %cond3A = arith.constant 0 : i32
    %cond3A_2 = arith.cmpi ne, %convert_element_type3A, %cond3A : i32
    scf.if %cond3A_2 {
      "tpu.region"() ({
        %run_scoped3A = tpu.sem_alloc : memref<!tpu.dma_semaphore, #tpu.memory_space<semaphore_mem>>
        tpu.enqueue_dma source(%arg3 : memref<16xi32, #tpu.memory_space<hbm>>) target(%arg5 : memref<16xi32, #tpu.memory_space<vmem>>) target_semaphore(%run_scoped3A : memref<!tpu.dma_semaphore, #tpu.memory_space<semaphore_mem>>)
        tpu.wait_dma2 semaphore(%run_scoped3A : memref<!tpu.dma_semaphore, #tpu.memory_space<semaphore_mem>>) src(%arg3 : memref<16xi32, #tpu.memory_space<hbm>>) dst(%arg5 : memref<16xi32, #tpu.memory_space<vmem>>)
        tpu.yield
      }) : () -> ()
      %iota3A = tpu.iota {dimensions = array<i32: 0>} : vector<16xi32>
      %min3A = arith.constant 3 : i32
      %min3A_3 = vector.broadcast %min3A : i32 to vector<16xi32>
      %min3A_4 = arith.minsi %iota3A, %min3A_3 : vector<16xi32>
      %gather3A = tpu.vector_load_idx %arg5[%min3A_4] : memref<16xi32, #tpu.memory_space<vmem>>[vector<16xi32>], vector<16xi32>,
      %add3A_5 = arith.constant 4 : i32
      %add3A_6 = vector.broadcast %add3A_5 : i32 to vector<16xi32>
      %add3A_7 = arith.addi %min3A_4, %add3A_6 : vector<16xi32>
      %gather3A_8 = tpu.vector_load_idx %arg5[%add3A_7] : memref<16xi32, #tpu.memory_space<vmem>>[vector<16xi32>], vector<16xi32>,
      %mul3A_9 = arith.constant 8192 : i32
      %mul3A_10 = vector.broadcast %mul3A_9 : i32 to vector<16xi32>
      %mul3A_11 = arith.muli %gather3A, %mul3A_10 : vector<16xi32>
      %add3A_12 = arith.addi %mul3A_11, %gather3A_8 : vector<16xi32>
      %swap3A = arith.constant 0 : index
      %swap3A_13 = tpu.vector_load %arg6[%swap3A] {strides = array<i32>} : memref<16xi32, #tpu.memory_space<vmem>>, vector<16xi32>,
      tpu.vector_store %arg6[%swap3A], %add3A_12 {strides = array<i32>} : memref<16xi32, #tpu.memory_space<vmem>>, vector<16xi32>,
      %dma_start3A = arith.constant 0 : i32
      %dma_start3A_14 = arith.constant 0 : i32
      %dma_start3A_15 = tpu.memref_slice %arg2[%dma_start3A, %dma_start3A_14] : memref<32768x2048xf32, #tpu.memory_space<hbm>> -> memref<32768x2048xf32, #tpu.memory_space<hbm>>
      tpu.enqueue_indirect_dma source(%dma_start3A_15 : memref<32768x2048xf32, #tpu.memory_space<hbm>>) target(%arg7 : memref<16x2048xf32, #tpu.memory_space<vmem>>) offsets(%arg6 : memref<16xi32, #tpu.memory_space<vmem>>) semaphore(%arg8 : memref<!tpu.dma_semaphore, #tpu.memory_space<semaphore_mem>>)
      %dma_wait3A = arith.constant 0 : i32
      %dma_wait3A_16 = arith.constant 0 : i32
      %dma_wait3A_17 = tpu.memref_slice %arg2[%dma_wait3A, %dma_wait3A_16] : memref<32768x2048xf32, #tpu.memory_space<hbm>> -> memref<32768x2048xf32, #tpu.memory_space<hbm>>
      tpu.wait_indirect_dma semaphore(%arg8 : memref<!tpu.dma_semaphore, #tpu.memory_space<semaphore_mem>>) src(%dma_wait3A_17 : memref<32768x2048xf32, #tpu.memory_space<hbm>>) dst(%arg7 : memref<16x2048xf32, #tpu.memory_space<vmem>>)
      "tpu.region"() ({
        %run_scoped3A = tpu.sem_alloc : memref<!tpu.dma_semaphore, #tpu.memory_space<semaphore_mem>>
        tpu.enqueue_dma source(%arg7 : memref<16x2048xf32, #tpu.memory_space<vmem>>) target(%arg4 : memref<16x2048xf32, #tpu.memory_space<hbm>>) target_semaphore(%run_scoped3A : memref<!tpu.dma_semaphore, #tpu.memory_space<semaphore_mem>>)
        tpu.wait_dma2 semaphore(%run_scoped3A : memref<!tpu.dma_semaphore, #tpu.memory_space<semaphore_mem>>) src(%arg7 : memref<16x2048xf32, #tpu.memory_space<vmem>>) dst(%arg4 : memref<16x2048xf32, #tpu.memory_space<hbm>>)
        tpu.yield
      }) : () -> ()
    } else {
    }
    return
  }
}

module attributes {stable_mosaic.version = 14 : i64} {
  func.func @body(%arg0: memref<32768x2048xf32, #tpu.memory_space<any>>, %arg1: memref<16x2048xf32, #tpu.memory_space<any>>, %arg2: memref<4xi32, #tpu.memory_space<smem>>, %arg3: memref<32768x2048xf32, #tpu.memory_space<any>>, %arg4: memref<!tpu.dma_semaphore, #tpu.memory_space<semaphore_mem>>) attributes {dimension_semantics = [], scalar_prefetch = 0 : i64, scratch_operands = 1 : i64, tpu.core_type = #tpu.core_type<tc>} {
    %get3A = arith.constant 0 : index
    %get3A_0 = memref.load %arg2[%get3A] : memref<4xi32, #tpu.memory_space<smem>>
    %add3A = arith.constant 0 : i32
    %add3A_1 = arith.addi %add3A, %get3A_0 : i32
    %get3A_2 = arith.constant 1 : index
    %get3A_3 = memref.load %arg2[%get3A_2] : memref<4xi32, #tpu.memory_space<smem>>
    %add3A_4 = arith.constant 8192 : i32
    %add3A_5 = arith.addi %add3A_4, %get3A_3 : i32
    %get3A_6 = arith.constant 2 : index
    %get3A_7 = memref.load %arg2[%get3A_6] : memref<4xi32, #tpu.memory_space<smem>>
    %add3A_8 = arith.constant 16384 : i32
    %add3A_9 = arith.addi %add3A_8, %get3A_7 : i32
    %get3A_10 = arith.constant 3 : index
    %get3A_11 = memref.load %arg2[%get3A_10] : memref<4xi32, #tpu.memory_space<smem>>
    %add3A_12 = arith.constant 24576 : i32
    %add3A_13 = arith.addi %add3A_12, %get3A_11 : i32
    %dma_start3A = arith.constant 0 : i32
    %dma_start3A_14 = arith.constant 0 : i32
    %dma_start3A_15 = tpu.memref_slice %arg3[%add3A_1, %dma_start3A_14] : memref<32768x2048xf32, #tpu.memory_space<any>> -> memref<1x2048xf32, #tpu.memory_space<any>>
    %dma_start3A_16 = tpu.memref_squeeze %dma_start3A_15 : memref<1x2048xf32, #tpu.memory_space<any>> -> memref<2048xf32, #tpu.memory_space<any>>
    %dma_start3A_17 = arith.constant 0 : i32
    %dma_start3A_18 = tpu.memref_slice %arg1[%dma_start3A, %dma_start3A_17] : memref<16x2048xf32, #tpu.memory_space<any>> -> memref<1x2048xf32, #tpu.memory_space<any>>
    %dma_start3A_19 = tpu.memref_squeeze %dma_start3A_18 : memref<1x2048xf32, #tpu.memory_space<any>> -> memref<2048xf32, #tpu.memory_space<any>>
    tpu.enqueue_dma source(%dma_start3A_19 : memref<2048xf32, #tpu.memory_space<any>>) target(%dma_start3A_16 : memref<2048xf32, #tpu.memory_space<any>>) target_semaphore(%arg4 : memref<!tpu.dma_semaphore, #tpu.memory_space<semaphore_mem>>)
    %dma_start3A_20 = arith.constant 1 : i32
    %dma_start3A_21 = arith.constant 0 : i32
    %dma_start3A_22 = tpu.memref_slice %arg3[%add3A_5, %dma_start3A_21] : memref<32768x2048xf32, #tpu.memory_space<any>> -> memref<1x2048xf32, #tpu.memory_space<any>>
    %dma_start3A_23 = tpu.memref_squeeze %dma_start3A_22 : memref<1x2048xf32, #tpu.memory_space<any>> -> memref<2048xf32, #tpu.memory_space<any>>
    %dma_start3A_24 = arith.constant 0 : i32
    %dma_start3A_25 = tpu.memref_slice %arg1[%dma_start3A_20, %dma_start3A_24] : memref<16x2048xf32, #tpu.memory_space<any>> -> memref<1x2048xf32, #tpu.memory_space<any>>
    %dma_start3A_26 = tpu.memref_squeeze %dma_start3A_25 : memref<1x2048xf32, #tpu.memory_space<any>> -> memref<2048xf32, #tpu.memory_space<any>>
    tpu.enqueue_dma source(%dma_start3A_26 : memref<2048xf32, #tpu.memory_space<any>>) target(%dma_start3A_23 : memref<2048xf32, #tpu.memory_space<any>>) target_semaphore(%arg4 : memref<!tpu.dma_semaphore, #tpu.memory_space<semaphore_mem>>)
    %dma_start3A_27 = arith.constant 2 : i32
    %dma_start3A_28 = arith.constant 0 : i32
    %dma_start3A_29 = tpu.memref_slice %arg3[%add3A_9, %dma_start3A_28] : memref<32768x2048xf32, #tpu.memory_space<any>> -> memref<1x2048xf32, #tpu.memory_space<any>>
    %dma_start3A_30 = tpu.memref_squeeze %dma_start3A_29 : memref<1x2048xf32, #tpu.memory_space<any>> -> memref<2048xf32, #tpu.memory_space<any>>
    %dma_start3A_31 = arith.constant 0 : i32
    %dma_start3A_32 = tpu.memref_slice %arg1[%dma_start3A_27, %dma_start3A_31] : memref<16x2048xf32, #tpu.memory_space<any>> -> memref<1x2048xf32, #tpu.memory_space<any>>
    %dma_start3A_33 = tpu.memref_squeeze %dma_start3A_32 : memref<1x2048xf32, #tpu.memory_space<any>> -> memref<2048xf32, #tpu.memory_space<any>>
    tpu.enqueue_dma source(%dma_start3A_33 : memref<2048xf32, #tpu.memory_space<any>>) target(%dma_start3A_30 : memref<2048xf32, #tpu.memory_space<any>>) target_semaphore(%arg4 : memref<!tpu.dma_semaphore, #tpu.memory_space<semaphore_mem>>)
    %dma_start3A_34 = arith.constant 3 : i32
    %dma_start3A_35 = arith.constant 0 : i32
    %dma_start3A_36 = tpu.memref_slice %arg3[%add3A_13, %dma_start3A_35] : memref<32768x2048xf32, #tpu.memory_space<any>> -> memref<1x2048xf32, #tpu.memory_space<any>>
    %dma_start3A_37 = tpu.memref_squeeze %dma_start3A_36 : memref<1x2048xf32, #tpu.memory_space<any>> -> memref<2048xf32, #tpu.memory_space<any>>
    %dma_start3A_38 = arith.constant 0 : i32
    %dma_start3A_39 = tpu.memref_slice %arg1[%dma_start3A_34, %dma_start3A_38] : memref<16x2048xf32, #tpu.memory_space<any>> -> memref<1x2048xf32, #tpu.memory_space<any>>
    %dma_start3A_40 = tpu.memref_squeeze %dma_start3A_39 : memref<1x2048xf32, #tpu.memory_space<any>> -> memref<2048xf32, #tpu.memory_space<any>>
    tpu.enqueue_dma source(%dma_start3A_40 : memref<2048xf32, #tpu.memory_space<any>>) target(%dma_start3A_37 : memref<2048xf32, #tpu.memory_space<any>>) target_semaphore(%arg4 : memref<!tpu.dma_semaphore, #tpu.memory_space<semaphore_mem>>)
    %dma_wait3A = arith.constant 0 : i32
    %dma_wait3A_41 = arith.constant 0 : i32
    %dma_wait3A_42 = tpu.memref_slice %arg3[%add3A_1, %dma_wait3A_41] : memref<32768x2048xf32, #tpu.memory_space<any>> -> memref<1x2048xf32, #tpu.memory_space<any>>
    %dma_wait3A_43 = tpu.memref_squeeze %dma_wait3A_42 : memref<1x2048xf32, #tpu.memory_space<any>> -> memref<2048xf32, #tpu.memory_space<any>>
    %dma_wait3A_44 = arith.constant 0 : i32
    %dma_wait3A_45 = tpu.memref_slice %arg1[%dma_wait3A, %dma_wait3A_44] : memref<16x2048xf32, #tpu.memory_space<any>> -> memref<1x2048xf32, #tpu.memory_space<any>>
    %dma_wait3A_46 = tpu.memref_squeeze %dma_wait3A_45 : memref<1x2048xf32, #tpu.memory_space<any>> -> memref<2048xf32, #tpu.memory_space<any>>
    tpu.wait_dma2 semaphore(%arg4 : memref<!tpu.dma_semaphore, #tpu.memory_space<semaphore_mem>>) src(%dma_wait3A_46 : memref<2048xf32, #tpu.memory_space<any>>) dst(%dma_wait3A_43 : memref<2048xf32, #tpu.memory_space<any>>)
    %dma_wait3A_47 = arith.constant 1 : i32
    %dma_wait3A_48 = arith.constant 0 : i32
    %dma_wait3A_49 = tpu.memref_slice %arg3[%add3A_5, %dma_wait3A_48] : memref<32768x2048xf32, #tpu.memory_space<any>> -> memref<1x2048xf32, #tpu.memory_space<any>>
    %dma_wait3A_50 = tpu.memref_squeeze %dma_wait3A_49 : memref<1x2048xf32, #tpu.memory_space<any>> -> memref<2048xf32, #tpu.memory_space<any>>
    %dma_wait3A_51 = arith.constant 0 : i32
    %dma_wait3A_52 = tpu.memref_slice %arg1[%dma_wait3A_47, %dma_wait3A_51] : memref<16x2048xf32, #tpu.memory_space<any>> -> memref<1x2048xf32, #tpu.memory_space<any>>
    %dma_wait3A_53 = tpu.memref_squeeze %dma_wait3A_52 : memref<1x2048xf32, #tpu.memory_space<any>> -> memref<2048xf32, #tpu.memory_space<any>>
    tpu.wait_dma2 semaphore(%arg4 : memref<!tpu.dma_semaphore, #tpu.memory_space<semaphore_mem>>) src(%dma_wait3A_53 : memref<2048xf32, #tpu.memory_space<any>>) dst(%dma_wait3A_50 : memref<2048xf32, #tpu.memory_space<any>>)
    %dma_wait3A_54 = arith.constant 2 : i32
    %dma_wait3A_55 = arith.constant 0 : i32
    %dma_wait3A_56 = tpu.memref_slice %arg3[%add3A_9, %dma_wait3A_55] : memref<32768x2048xf32, #tpu.memory_space<any>> -> memref<1x2048xf32, #tpu.memory_space<any>>
    %dma_wait3A_57 = tpu.memref_squeeze %dma_wait3A_56 : memref<1x2048xf32, #tpu.memory_space<any>> -> memref<2048xf32, #tpu.memory_space<any>>
    %dma_wait3A_58 = arith.constant 0 : i32
    %dma_wait3A_59 = tpu.memref_slice %arg1[%dma_wait3A_54, %dma_wait3A_58] : memref<16x2048xf32, #tpu.memory_space<any>> -> memref<1x2048xf32, #tpu.memory_space<any>>
    %dma_wait3A_60 = tpu.memref_squeeze %dma_wait3A_59 : memref<1x2048xf32, #tpu.memory_space<any>> -> memref<2048xf32, #tpu.memory_space<any>>
    tpu.wait_dma2 semaphore(%arg4 : memref<!tpu.dma_semaphore, #tpu.memory_space<semaphore_mem>>) src(%dma_wait3A_60 : memref<2048xf32, #tpu.memory_space<any>>) dst(%dma_wait3A_57 : memref<2048xf32, #tpu.memory_space<any>>)
    %dma_wait3A_61 = arith.constant 3 : i32
    %dma_wait3A_62 = arith.constant 0 : i32
    %dma_wait3A_63 = tpu.memref_slice %arg3[%add3A_13, %dma_wait3A_62] : memref<32768x2048xf32, #tpu.memory_space<any>> -> memref<1x2048xf32, #tpu.memory_space<any>>
    %dma_wait3A_64 = tpu.memref_squeeze %dma_wait3A_63 : memref<1x2048xf32, #tpu.memory_space<any>> -> memref<2048xf32, #tpu.memory_space<any>>
    %dma_wait3A_65 = arith.constant 0 : i32
    %dma_wait3A_66 = tpu.memref_slice %arg1[%dma_wait3A_61, %dma_wait3A_65] : memref<16x2048xf32, #tpu.memory_space<any>> -> memref<1x2048xf32, #tpu.memory_space<any>>
    %dma_wait3A_67 = tpu.memref_squeeze %dma_wait3A_66 : memref<1x2048xf32, #tpu.memory_space<any>> -> memref<2048xf32, #tpu.memory_space<any>>
    tpu.wait_dma2 semaphore(%arg4 : memref<!tpu.dma_semaphore, #tpu.memory_space<semaphore_mem>>) src(%dma_wait3A_67 : memref<2048xf32, #tpu.memory_space<any>>) dst(%dma_wait3A_64 : memref<2048xf32, #tpu.memory_space<any>>)
    return
  }
}

module attributes {stable_mosaic.version = 14 : i64} {
  func.func @body(%arg0: i32, %arg1: memref<1024x2048xf32, #tpu.memory_space<vmem>>, %arg2: memref<1024x2048xf32, #tpu.memory_space<vmem>>) attributes {dimension_semantics = [#tpu.dimension_semantics<arbitrary>], iteration_bounds = array<i64: 32>, scalar_prefetch = 0 : i64, scratch_operands = 0 : i64, tpu.core_type = #tpu.core_type<tc>, window_params = [{transform_indices = @transform_0, window_bounds = array<i64: 1024, 2048>}, {transform_indices = @transform_1, window_bounds = array<i64: 1024, 2048>}]} {
    %get3A = arith.constant 0 : index
    %get3A_0 = arith.constant 0 : index
    %get3A_1 = vector.load %arg1[%get3A, %get3A_0] : memref<1024x2048xf32, #tpu.memory_space<vmem>>, vector<1024x2048xf32>
    %swap3A = arith.constant 0 : index
    %swap3A_2 = arith.constant 0 : index
    %swap3A_3 = vector.load %arg2[%swap3A, %swap3A_2] : memref<1024x2048xf32, #tpu.memory_space<vmem>>, vector<1024x2048xf32>
    tpu.vector_store %arg2[%swap3A, %swap3A_2], %get3A_1 {strides = array<i32>} : memref<1024x2048xf32, #tpu.memory_space<vmem>>, vector<1024x2048xf32>,
    return
  }
  func.func @transform_0(%arg0: i32) -> (i32, i32) {
    %c0_i32 = arith.constant 0 : i32
    %c0_i32_0 = arith.constant 0 : i32
    return %arg0, %c0_i32 : i32, i32
  }
  func.func @transform_1(%arg0: i32) -> (i32, i32) {
    %c0_i32 = arith.constant 0 : i32
    %c0_i32_0 = arith.constant 0 : i32
    return %arg0, %c0_i32 : i32, i32
  }
}

</mosaic_0001>

<sc_bundles>
// kernel: kernel.5.cloned.1.call-start
scs
__scs_entry_jumppad:
0x0: {  	(pc) =	sbr.rel $0x88, $3  }
0x1: {  	(tag) =	ssettag $0x0;
	lr =	simm.s32 $0x1  }
0x2: {  	[smem:$0x3F9D] =	sst lr;
	_ =	strace $0xD0000000  }
0x3: {  	_ = 	snop  }
0x4: {  	_ = 	snop  }
0x5: {  	_ = 	snop  }
0x6: {  	_ = 	snop  }
0x7: {  	_ = 	snop  }
__scs_overlays_trampoline_lowered:
0x8: {  	[smem:$0x3FAC] =	sst s0  }
0x9: {  	[smem:$0x3FAD] =	sst s1  }
0xa: {  	[smem:$0x3FAE] =	sst s2  }
0xb: {  	[smem:$0x3FAF] =	sst s3  }
0xc: {  	[smem:$0x3FB0] =	sst s4  }
0xd: {  	[smem:$0x3FB1] =	sst s5  }
0xe: {  	[smem:$0x3FB2] =	sst s6  }
0xf: {  	[smem:$0x3FB3] =	sst s7  }
0x10: {  	[smem:$0x3FB4] =	sst s8  }
0x11: {  	[smem:$0x3FB5] =	sst s9;
	s0 =	simm.s32 @!p0 $0x0  }
0x12: {  	s1 =	sld [smem:$0x3F9B];
	s0 =	simm.s32 @p0 $0x1  }
0x13: {  	[smem:$0x3FB6] =	sst s0;
	s0 =	simm.s32 @!p1 $0x0  }
0x14: {  	s2 =	sld [smem:$0x3F9A];
	s0 =	simm.s32 @p1 $0x1  }
0x15: {  	[smem:$0x3FB7] =	sst s0;
	s0 =	simm.s32 @!p2 $0x0  }
0x16: {  	s3 =	sld [smem:$0x3FDB];
	s0 =	simm.s32 @p2 $0x1  }
0x17: {  	s4 =	simm.s32 $0x1BF5;
	[smem:$0x3FB9] =	sst s0  }
0x18: {  	s0 =	sld [smem:$0x3F9C];
	_ =	swait.ge [sflag:s4], $0x0  }
0x19: {  	s7 =	sld [smem:$0x3F9D]  }
0x1a: {  	s8 =	sadd.s32 $0xFFFFE003, lr  }
0x1b: {  	s9 =	sadd.s32 $0xFFFFFEF7, lr;
	s5 =	simm.s32 $0xFFFFFFFF;
	p2 =	slt.u32 s8, $0xFFFFF086  }
0x1c: {  	p1 =	slt.u32 s9, $0xF7A;
	s5 =	simm.s32 @!p2 $0x0  }
0x1d: {  	s5 =	simm.s32 @p1 $0x1;
	p0 =	seq.s32 s7, s2  }
0x1e: {  	s7 =	smul.u32 @!p0 $0xF7A, s2;
	p2 =	seq.s32 @!p0 s5, $0x0  }
0x1f: {  	s9 =	smul.u32 $0xF7A, s1;
	s8 =	simm.s32 @!p0 $0x1BF5;
	p2 =	por !p2, p0  }
0x20: {  	[sflag:s8] =	ssyncset.s32 @!p0 $0xFFFFF086;
	s6 =	sadd.s32 @!p0 s3, s7;
	s7 =	simm.s32 @!p0 $0x108  }
0x21: {  	s3 =	sadd.s32 s3, s9;
	s6 =	sadd.s32 @!p0 $0x88, s6;
	s7 =	simm.s32 @p2 $0x1082  }
0x22: {  	[simem:s7], [sflag:s8] =	dma.local @!p0 [hbm:s6], $0xF7A  }
0x23: {  	s9 =	sor.u32 $0xD0000000, s2;
	s6 =	simm.s32 $0x108;
	_ =	swait.ge @!p0 [sflag:s8], $0x0  }
0x24: {  	s3 =	sadd.s32 $0x88, s3;
	s6 =	simm.s32 @!p1 $0x1082;
	[sflag:s4] =	ssyncset.s32 $0xFFFFF086  }
0x25: {  	[simem:s6], [sflag:s4] =	dma.local [hbm:s3], $0xF7A  }
0x26: {  	[smem:$0x3F9D] =	sst s1;
	(tag) =	ssettag s2;
	_ =	strace s9  }
0x27: {  	s1 =	sld [smem:$0x3FAD]  }
0x28: {  	s2 =	sld [smem:$0x3FAE]  }
0x29: {  	s4 =	sld [smem:$0x3FB0]  }
0x2a: {  	p0 =	seq.s32 s5, $0x0;
	s5 =	sld [smem:$0x3FB1]  }
0x2b: {  	s6 =	sld [smem:$0x3FB2]  }
0x2c: {  	s7 =	sld [smem:$0x3FB3]  }
0x2d: {  	s3 =	simm.s32 $0x108;
	s8 =	sld [smem:$0x3FB4]  }
0x2e: {  	s3 =	simm.s32 @!p0 $0x1082;
	s9 =	sld [smem:$0x3FB5]  }
0x2f: {  	lr =	sadd.s32 s0, s3;
	s0 =	sld [smem:$0x3FAC]  }
0x30: {  	s3 =	sld [smem:$0x3FAF]  }
0x31: {  	[smem:$0x3FB8] =	sst s10  }
0x32: {  	s10 =	sld [smem:$0x3FB6];
	_ =	sdelay $0x3  }
0x33: {  	p0 =	seq.s32 s10, $0x1;
	s10 =	sld [smem:$0x3FB8];
	_ =	sdelay $0x3  }
0x34: {  	[smem:$0x3FB8] =	sst s10  }
0x35: {  	s10 =	sld [smem:$0x3FB7];
	_ =	sdelay $0x3  }
0x36: {  	p1 =	seq.s32 s10, $0x1;
	s10 =	sld [smem:$0x3FB8];
	_ =	sdelay $0x3  }
0x37: {  	[smem:$0x3FB8] =	sst s10  }
0x38: {  	s10 =	sld [smem:$0x3FB9]  }
0x39: {  	_ = 	snop;
	(pc) =	sbr.ind lr, $3  }
0x3a: {  	_ = 	snop  }
0x3b: {  	_ = 	snop  }
0x3c: {  	p2 =	seq.s32 s10, $0x1;
	s10 =	sld [smem:$0x3FB8]  }
0x3d: {  	_ =	shalt  }
0x3e: {  	_ =	shalt  }
0x3f: {  	_ =	shalt  }
0x40: {  	_ =	shalt  }
0x41: {  	_ =	shalt  }
0x42: {  	_ =	shalt  }
0x43: {  	_ =	shalt  }
0x44: {  	_ =	shalt  }
0x45: {  	_ =	shalt  }
0x46: {  	_ =	shalt  }
0x47: {  	_ =	shalt  }
0x48: {  	_ =	shalt  }
0x49: {  	_ =	shalt  }
0x4a: {  	_ =	shalt  }
0x4b: {  	_ =	shalt  }
0x4c: {  	_ =	shalt  }
0x4d: {  	_ =	shalt  }
0x4e: {  	_ =	shalt  }
0x4f: {  	_ =	shalt  }
0x50: {  	_ =	shalt  }
0x51: {  	_ =	shalt  }
0x52: {  	_ =	shalt  }
0x53: {  	_ =	shalt  }
0x54: {  	_ =	shalt  }
0x55: {  	_ =	shalt  }
0x56: {  	_ =	shalt  }
0x57: {  	_ =	shalt  }
0x58: {  	_ =	shalt  }
0x59: {  	_ =	shalt  }
0x5a: {  	_ =	shalt  }
0x5b: {  	_ =	shalt  }
0x5c: {  	_ =	shalt  }
0x5d: {  	_ =	shalt  }
0x5e: {  	_ =	shalt  }
0x5f: {  	_ =	shalt  }
0x60: {  	_ =	shalt  }
0x61: {  	_ =	shalt  }
0x62: {  	_ =	shalt  }
0x63: {  	_ =	shalt  }
0x64: {  	_ =	shalt  }
0x65: {  	_ =	shalt  }
0x66: {  	_ =	shalt  }
0x67: {  	_ =	shalt  }
0x68: {  	_ =	shalt  }
0x69: {  	_ =	shalt  }
0x6a: {  	_ =	shalt  }
0x6b: {  	_ =	shalt  }
0x6c: {  	_ =	shalt  }
0x6d: {  	_ =	shalt  }
0x6e: {  	_ =	shalt  }
0x6f: {  	_ =	shalt  }
0x70: {  	_ =	shalt  }
0x71: {  	_ =	shalt  }
0x72: {  	_ =	shalt  }
0x73: {  	_ =	shalt  }
0x74: {  	_ =	shalt  }
0x75: {  	_ =	shalt  }
0x76: {  	_ =	shalt  }
0x77: {  	_ =	shalt  }
0x78: {  	_ =	shalt  }
0x79: {  	_ =	shalt  }
0x7a: {  	_ =	shalt  }
0x7b: {  	_ =	shalt  }
0x7c: {  	_ =	shalt  }
0x7d: {  	_ =	shalt  }
0x7e: {  	_ =	shalt  }
0x7f: {  	_ =	shalt  }
0x80: {  	_ =	shalt  }
0x81: {  	_ =	shalt  }
0x82: {  	_ =	shalt  }
0x83: {  	_ =	shalt  }
0x84: {  	_ =	shalt  }
0x85: {  	_ =	shalt  }
0x86: {  	_ =	shalt  }
0x87: {  	_ =	shalt  }
.Lfunc_end0:
.L_simem_size_0:
called_computation_lowered:
.L_overlay_start_0:
0x88: {  	s0 =	sld [smem:$0x3FD9]  }
0x89: {  	s1 =	sld [smem:$0x3FFE];
	_ =	sdelay $0x3  }
0x8a: {  	s0 =	sadd.s32 s1, s0  }
0x8b: {  	[smem:$0x3FC4] =	sst s0  }
0x8c: {  	_ = 	snop  }
0x8d: {  	s0 =	sld [smem:$0x3FC9];
	(tm) =	ssettm $0x1  }
0x8e: {  	s16 =	sld [smem:$0x3FFB];
	_ =	sdelay $0x3  }
0x8f: {  	_ =	strace s16  }
0x90: {  	s1 =	sld [smem:$0x3FFC];
	_ =	sdelay $0x3  }
0x91: {  	_ =	strace s1  }
0x92: {  	s1 =	sld [smem:$0x3FFD];
	_ =	sdelay $0x3  }
0x93: {  	_ =	strace s1  }
0x94: {  	_ =	strace $0x8FFFFFFF  }
0x95: {  	s17 =	sld [smem:$0x3FDB];
	_ =	sdelay $0x1  }
0x96: {  	s2 =	simm.s32 $_scs_section_size  }
0x97: {  	s3 =	simm.s32 $_size__tile_overlayer_lowered;
	s4 =	simm.s32 $_tile_overlayer_lowered  }
0x98: {  	s20 =	simm.s32 $0x1BFF;
	s19 =	sshll.u32 s4, $0x1;
	s1 =	sadd.s32 s2, s17  }
0x99: {  	s5 =	simm.s32 $0x0;
	s18 =	sshll.u32 s3, $0x1;
	s3 =	sadd.s32 s19, s1  }
0x9a: {  	[timem:s5], [sflag:s20] =	dma.local [hbm:s3], s18  }
0x9b: {  	_ =	swait.ge [sflag:s20], s18  }
0x9c: {  	s2 =	ssub.s32 $0x0, s18;
	[sflag:s20] =	ssyncset.done $0x0  }
0x9d: {  	[sflag:s20] =	ssyncadd.s32 s2;
	_ =	sdelay $0x1  }
0x9e: {  	s21 =	simm.s32 $0x1B8B  }
0x9f: {  	_ =	swait.ge [sflag:s21], $0x1  }
0xa0: {  	[sflag:s21] =	ssyncset.done $0x0  }
0xa1: {  	s23 =	simm.s32 $0x1B8E;
	s22 =	sld [smem:$0x3FFE];
	[sflag:s21] =	ssyncadd.s32 $0xFFFFFFFF  }
0xa2: {  	s24 =	simm.s32 $execute0_lowered;
	[smem:$0x3FD2] =	sst s23  }
0xa3: {  	s3 =	sshll.u32 s24, $0x1;
	_ =	strace $0x80000046;
	[dreg:$0x1] =	wrdreg $0xFFFFFFFF  }
0xa4: {  	s25 =	simm.s32 $_size_execute0_lowered;
	s1 =	sadd.s32 s1, s3;
	[dreg:$0x0] =	wrdreg $0x0  }
0xa5: {  	s3 =	sshll.u32 s25, $0x1;
	[dreg:$0x2] =	wrdreg s1  }
0xa6: {  	[dreg:$0x3] =	wrdreg s3  }
0xa7: {  	[dreg:$0x4] =	wrdreg $0xC0  }
0xa8: {  	_ =	task [dreg:s5], $0x5FFFF  }
0xa9: {  	[dreg:$0x1] =	wrdreg $0xFFFFFFFF  }
0xaa: {  	[dreg:$0x0] =	wrdreg $0x60  }
0xab: {  	[dreg:$0x2] =	wrdreg s0  }
0xac: {  	[dreg:$0x3] =	wrdreg s22  }
0xad: {  	[dreg:$0x4] =	wrdreg $0x9  }
0xae: {  	_ =	task.clear_ibuf [dreg:s5], $0x5FFFF;
	_ =	strace $0x90000046  }
0xaf: {  	s26 =	simm.s32 $0x9;
	_ =	strace $0x80000048  }
0xb0: {  	_ =	swait.ge [sflag:s26], $0x1  }
0xb1: {  	[sflag:s26] =	ssyncadd.s32 $0xFFFFFFFF  }
0xb2: {  	_ =	strace $0x90000048  }
0xb3: {  	_ =	sfence  }
0xb4: {  	s28 =	sld [smem:$0x0];
	_ =	sdelay $0x1  }
0xb5: {  	s29 =	srdreg.scid  }
0xb6: {  	s30 =	sshll.u32 s29, $0xD;
	s31 =	sshrl.u32 s29, $0x2  }
0xb7: {  	s2 =	sand.u32 $0x4000, s30;
	s1 =	sand.u32 $0x1, s29;
	s0 =	sadd.s32 s31, s28  }
0xb8: {  	s1 =	sor.u32 s2, s1;
	s0 =	sshll.u32 s0, $0x11  }
0xb9: {  	s0 =	sor.u32 s0, s1  }
0xba: {  	s0 =	sadd.s32 $0x8F2B, s0  }
0xbb: {  	[sflag:s0] =	ssyncadd.remote.s32 $0x1  }
0xbc: {  	_ =	sfence.sel $0xFFFF  }
0xbd: {  	[dreg:$0x0] =	wrdreg $0xFFFFFFFF;
	(pc) =	sbr.abs _section_cstart, $3  }
0xbe: {  	[dreg:$0x1] =	wrdreg $0xFFFFFFFF  }
0xbf: {  	_ =	task.clear_ibuf [dreg:s5], $0x2FFFF;
	_ =	strace $0x9FFFFFFF  }
0xc0: {  	(tm) =	ssettm $0x7FFFFFFF  }
0xc1: {  	_ =	shalt  }
tec
execute0_lowered:
.L_overlay_start_1:
0x0: {  	(tag) =	ssettag $0x1  }
0x1: {  	s4 =	rddreg [dreg:$0x0]  }
0x2: {  	s1 =	rddreg [dreg:$0x1];
	s2 =	stileid.u32  }
0x3: {  	s0 =	rddreg [dreg:$0x2];
	_ =	strace $0x80000047;
	p0 =	sne.s32 s2, $0x0  }
0x4: {  	_ =	sfence.sel @p0 $0x180000  }
0x5: {  	[bflag:$0x0] =	sbarrier.arrive @p0 $0xFFFF  }
0x6: {  	_ =	strace @p0 $0x90000047  }
0x7: {  	[bflag:$0x2] =	sbarrier.arrive @p0 $0xFFFF  }
0x8: {  	_ =	shalt @p0  }
.LBB2_1:
0x9: {  	v0 =	vimm.s32 $0x3020100  }
0xa: {  	v1 =	vimm.s32 $0x7060504;
	v0 =	vunpack.c.0.s8.s32 v0  }
0xb: {  	vm0 =	vcmask $0xF00;
	v1 =	vunpack.c.0.s8.s32 v1  }
0xc: {  	s3 =	sadd.s32 $0x800, s1;
	s2 =	simm.s32 $0x0;
	s14 =	simm.s32 $0x2;
	v0 =	vnsel vm0, $0x3, v0  }
0xd: {  	[tilespmem:s2], [sflag:$0x2] =	stream.linear.gather [hbm4b:s3+s2], $0x80, $0x38;
	v1 =	vnsel vm0, $0x7, v1;
	[tilespmem:$0x8100] =	vst v63  }
0xe: {  	_ =	swait.ge [sflag:s14], $0x80  }
0xf: {  	[sflag:s14] =	ssyncset.done $0x0  }
0x10: {  	[sflag:s14] =	ssyncadd.s32 $0xFFFFFF80  }
0x11: {  	v0 =	vld.idx.msk [tilespmem:v0+s2+$0x0], $0xffff  }
0x12: {  	v1 =	vld.idx.msk [tilespmem:v1+s2+$0x0], $0xffff;
	_ =	sdelay $0x3  }
0x13: {  	v0 =	vshll.u32 v0, $0xD  }
0x14: {  	v0 =	vadd.s32 v1, v0  }
0x15: {  	v2 =	vshll.u32 v0, $0x4  }
0x16: {  	v3 =	vlaneseq.u32;
	v1 =	vand.u32 $0x7, v1;
	v2 =	vand.u32 $0xFFFFFF80, v2  }
0x17: {  	v62 =	vand.u32 $0x7, v3;
	v4 =	vshrl.u32 v3, $0x3;
	v1 =	vor.u32 v1, v2  }
0x18: {  	v4 =	vmul.u32 $0x8, v4;
	v2 =	vperm.xlane v1, v62;
	_ =	sdelay $0x1  }
0x19: {  	v2 =	vadd.s32 v4, v2;
	_ =	sdelay $0x3  }
0x1a: {  	vm15 =	vmmov $0xffff;
	s5 =	simm.s32 $0x100;
	[tilespmem:$0x80] =	vst v0  }
0x1b: {  	[tilespmem:s5], [sflag:$0x1] =	stream.indirect_vreg.gather [hbm4b:s4+s2], $0x80, v2, vm15, $0xb8;
	[tilespmem:$0x8100] =	vst v63  }
0x1c: {  	s6 =	sadd.s32 $0x100, s4;
	s7 =	simm.s32 $0x900  }
0x1d: {  	[tilespmem:s7], [sflag:$0x1] =	stream.indirect_vreg.gather [hbm4b:s6+s2], $0x80, v2, vm15, $0xb8;
	[tilespmem:$0x8100] =	vst v63  }
0x1e: {  	s15 =	sadd.s32 $0x200, s4;
	s8 =	simm.s32 $0x1100  }
0x1f: {  	[tilespmem:s8], [sflag:$0x1] =	stream.indirect_vreg.gather [hbm4b:s15+s2], $0x80, v2, vm15, $0xb8;
	[tilespmem:$0x8100] =	vst v63  }
0x20: {  	s16 =	sadd.s32 $0x300, s4;
	s9 =	simm.s32 $0x1900  }
0x21: {  	[tilespmem:s9], [sflag:$0x1] =	stream.indirect_vreg.gather [hbm4b:s16+s2], $0x80, v2, vm15, $0xb8;
	[tilespmem:$0x8100] =	vst v63  }
0x22: {  	s17 =	sadd.s32 $0x400, s4;
	s10 =	simm.s32 $0x2100  }
0x23: {  	v63 =	vor.u32 $0x8, v3;
	[tilespmem:s10], [sflag:$0x1] =	stream.indirect_vreg.gather [hbm4b:s17+s2], $0x80, v2, vm15, $0xb8;
	[tilespmem:$0x8100] =	vst v63  }
0x24: {  	s18 =	sadd.s32 $0x500, s4;
	s11 =	simm.s32 $0x2900;
	v0 =	vperm.xlane v1, v63  }
0x25: {  	[tilespmem:s11], [sflag:$0x1] =	stream.indirect_vreg.gather [hbm4b:s18+s2], $0x80, v2, vm15, $0xb8;
	[tilespmem:$0x8100] =	vst v63  }
0x26: {  	s19 =	sadd.s32 $0x600, s4;
	s12 =	simm.s32 $0x3100;
	v0 =	vadd.s32 v4, v0  }
0x27: {  	[tilespmem:s12], [sflag:$0x1] =	stream.indirect_vreg.gather [hbm4b:s19+s2], $0x80, v2, vm15, $0xb8;
	[tilespmem:$0x8100] =	vst v63  }
0x28: {  	s20 =	sadd.s32 $0x700, s4;
	s13 =	simm.s32 $0x3900  }
0x29: {  	[tilespmem:s13], [sflag:$0x1] =	stream.indirect_vreg.gather [hbm4b:s20+s2], $0x80, v2, vm15, $0xb8;
	[tilespmem:$0x8100] =	vst v63  }
0x2a: {  	s21 =	simm.s32 $0x4100  }
0x2b: {  	[tilespmem:s21], [sflag:$0x1] =	stream.indirect_vreg.gather [hbm4b:s4+s2], $0x80, v0, vm15, $0xb8;
	[tilespmem:$0x8100] =	vst v63  }
0x2c: {  	s22 =	simm.s32 $0x4900  }
0x2d: {  	[tilespmem:s22], [sflag:$0x1] =	stream.indirect_vreg.gather [hbm4b:s6+s2], $0x80, v0, vm15, $0xb8;
	[tilespmem:$0x8100] =	vst v63  }
0x2e: {  	s23 =	simm.s32 $0x5100  }
0x2f: {  	[tilespmem:s23], [sflag:$0x1] =	stream.indirect_vreg.gather [hbm4b:s15+s2], $0x80, v0, vm15, $0xb8;
	[tilespmem:$0x8100] =	vst v63  }
0x30: {  	s24 =	simm.s32 $0x5900  }
0x31: {  	[tilespmem:s24], [sflag:$0x1] =	stream.indirect_vreg.gather [hbm4b:s16+s2], $0x80, v0, vm15, $0xb8;
	[tilespmem:$0x8100] =	vst v63  }
0x32: {  	s25 =	simm.s32 $0x6100  }
0x33: {  	[tilespmem:s25], [sflag:$0x1] =	stream.indirect_vreg.gather [hbm4b:s17+s2], $0x80, v0, vm15, $0xb8;
	[tilespmem:$0x8100] =	vst v63  }
0x34: {  	s26 =	simm.s32 $0x6900  }
0x35: {  	[tilespmem:s26], [sflag:$0x1] =	stream.indirect_vreg.gather [hbm4b:s18+s2], $0x80, v0, vm15, $0xb8;
	[tilespmem:$0x8100] =	vst v63  }
0x36: {  	s28 =	simm.s32 $0x7100  }
0x37: {  	[tilespmem:s28], [sflag:$0x1] =	stream.indirect_vreg.gather [hbm4b:s19+s2], $0x80, v0, vm15, $0xb8;
	[tilespmem:$0x8100] =	vst v63  }
0x38: {  	s29 =	simm.s32 $0x7900;
	s30 =	simm.s32 $0x1  }
0x39: {  	[tilespmem:s29], [sflag:$0x1] =	stream.indirect_vreg.gather [hbm4b:s20+s2], $0x80, v0, vm15, $0xb8;
	[tilespmem:$0x8100] =	vst v63  }
0x3a: {  	_ =	swait.ge [sflag:s30], $0x8000  }
0x3b: {  	[sflag:s30] =	ssyncset.done $0x0  }
0x3c: {  	s31 =	sadd.s32 $0xA00, s1;
	[sflag:s30] =	ssyncadd.s32 $0xFFFF8000  }
0x3d: {  	[hbm4b:s31+s2] =	stream.linear.scatter [tilespmem:s5], [sflag:$0x2], $0x8000, $0x38;
	[tilespmem:$0x8100] =	vst v63  }
0x3e: {  	_ =	swait.ge [sflag:s14], $0x8000  }
0x3f: {  	[sflag:s14] =	ssyncset.done $0x0  }
0x40: {  	[sflag:s14] =	ssyncadd.s32 $0xFFFF8000  }
0x41: {  	_ =	sfence.sel $0x180000  }
0x42: {  	[bflag:$0x0] =	sbarrier.arrive $0xFFFF  }
0x43: {  	_ =	strace $0x90000047  }
0x44: {  	s0 =	sadd.s32 $0x100000, s0;
	[bflag:$0x2] =	sbarrier.arrive $0xFFFF  }
0x45: {  	[sflag:s0] =	ssyncadd.tile.s32 $0x1;
	_ =	shalt  }
.Lfunc_end2:
_tile_overlayer_lowered:
.L_overlay_start_2:
0x46: {  	(tag) =	ssettag $0x2  }
0x47: {  	s0 =	rddreg [dreg:$0x0];
	s2 =	stileid.u32  }
0x48: {  	s1 =	rddreg [dreg:$0x1];
	p0 =	sne.s32 s2, $0x0  }
0x49: {  	s3 =	rddreg [dreg:$0x2];
	[bflag:$0x3] =	sbarrier.arrive $0xFFFF;
	s2 =	simm.s32 @!p0 $0x1C02  }
0x4a: {  	[timem:s3], [sflag:s2] =	dma.local @!p0 [hbm:s0], s1  }
0x4b: {  	s0 =	simm.s32 @!p0 $0x2  }
0x4c: {  	_ =	swait.ge @!p0 [sflag:s0], s1  }
0x4d: {  	s1 =	ssub.s32 @!p0 $0x0, s1;
	[sflag:s0] =	ssyncset.done @!p0 $0x0  }
0x4e: {  	[sflag:s0] =	ssyncadd.s32 @!p0 s1  }
0x4f: {  	[bflag:$0x3] =	sbarrier.arrive $0xFFFF  }
0x50: {  	_ =	shalt  }

</sc_bundles>
